<compile_context>
chip_gen: v7x
topology: tpu7x:2x2x1
jax: 0.10.2.dev20260603
libtpu: 0.0.44.dev20260713+nightly
codegen_flags: <defaults>
</compile_context>

<pallas_src>
import jax
import jax.numpy as jnp
from jax import lax
from jax.experimental import pallas as pl
from jax.experimental.pallas import tpu as pltpu
from jax.experimental.pallas import tpu_sc as plsc

_THRES = 0.7
_MIN_KEPT = 131072
_N = 1048576
_LANES = 16
_NC = 2
_NS = 16
_NW = _NC * _NS
_CHUNK = _N // _NW
_UNROLL = 8
_NBUF = 4
_BUF = _CHUNK // _NBUF


def _sc_body(tgt_hbm, parts_hbm, tgt_v, part_v, sems):
    wid = lax.axis_index("s") * _NC + lax.axis_index("c")
    base = wid * _CHUNK

    copies = [
        pltpu.async_copy(
            tgt_hbm.at[pl.ds(base + b * _BUF, _BUF)],
            tgt_v.at[pl.ds(b * _BUF, _BUF)], sems.at[b])
        for b in range(2)
    ]

    z = jnp.zeros((_LANES,), jnp.int32)

    def reduce_buf(buf_base, carry):
        def step(i, carry):
            a0, a1, a2, a3 = carry
            off = buf_base + i * (_LANES * _UNROLL)
            a0 = a0 + tgt_v[pl.ds(off + 0 * _LANES, _LANES)] \
                    + tgt_v[pl.ds(off + 4 * _LANES, _LANES)]
            a1 = a1 + tgt_v[pl.ds(off + 1 * _LANES, _LANES)] \
                    + tgt_v[pl.ds(off + 5 * _LANES, _LANES)]
            a2 = a2 + tgt_v[pl.ds(off + 2 * _LANES, _LANES)] \
                    + tgt_v[pl.ds(off + 6 * _LANES, _LANES)]
            a3 = a3 + tgt_v[pl.ds(off + 3 * _LANES, _LANES)] \
                    + tgt_v[pl.ds(off + 7 * _LANES, _LANES)]
            return a0, a1, a2, a3
        return lax.fori_loop(0, _BUF // (_LANES * _UNROLL), step, carry)

    carry = (z, z, z, z)
    for j in range(_NBUF):
        copies[j % 2].wait()
        carry = reduce_buf((j % 2) * _BUF, carry)
        if j + 2 < _NBUF:
            copies[j % 2] = pltpu.async_copy(
                tgt_hbm.at[pl.ds(base + (j + 2) * _BUF, _BUF)],
                tgt_v.at[pl.ds((j % 2) * _BUF, _BUF)], sems.at[j % 2])
    a0, a1, a2, a3 = carry
    part_v[...] = (a0 + a1) + (a2 + a3)
    pltpu.sync_copy(part_v, parts_hbm.at[wid])


def _tc_body(parts_ref, score_ref, tgt_ref, out_ref):
    n1 = jnp.sum(parts_ref[...])
    n0 = _N - n1
    t0 = tgt_ref[0]
    t1 = tgt_ref[1]
    s00 = score_ref[0, 0]
    s01 = score_ref[0, 1]
    s10 = score_ref[1, 0]
    s11 = score_ref[1, 1]

    t0f = t0.astype(jnp.float32)
    a = jax.nn.sigmoid(jnp.where(t0 == 0, s00, s01))
    b = jax.nn.sigmoid(jnp.where(t1 == 0, s10, s11))
    p0 = jnp.maximum(s00, 0.0) - s00 * t0f + jnp.log1p(jnp.exp(-jnp.abs(s00)))
    p1 = jnp.maximum(s01, 0.0) - s01 * t0f + jnp.log1p(jnp.exp(-jnp.abs(s01)))

    min_value = jnp.where(
        a < b,
        jnp.where(n0 > _MIN_KEPT, a, b),
        jnp.where(a > b, jnp.where(n1 > _MIN_KEPT, b, a), a),
    )
    thr = jnp.maximum(min_value, _THRES)
    n0f = n0.astype(jnp.float32)
    n1f = n1.astype(jnp.float32)
    ka = jnp.where(a < thr, n0f, 0.0)
    kb = jnp.where(b < thr, n1f, 0.0)
    out_ref[0] = (p0 * ka + p1 * kb) / jnp.maximum(ka + kb, 1.0)


@jax.jit
def kernel(score, target):
    mesh = plsc.VectorSubcoreMesh(
        core_axis_name="c", subcore_axis_name="s", num_cores=_NC)
    parts = pl.kernel(
        _sc_body,
        out_type=jax.ShapeDtypeStruct((_NW, _LANES), jnp.int32),
        mesh=mesh,
        compiler_params=pltpu.CompilerParams(needs_layout_passes=False),
        scratch_types=[
            pltpu.VMEM((2 * _BUF,), jnp.int32),
            pltpu.VMEM((_LANES,), jnp.int32),
            pltpu.SemaphoreType.DMA((2,)),
        ],
    )(target)

    score8 = lax.slice(score, (0, 0), (8, 2))
    tgt8 = lax.slice(target, (0,), (8,))
    out = pl.pallas_call(
        _tc_body,
        out_shape=jax.ShapeDtypeStruct((1,), jnp.float32),
        in_specs=[
            pl.BlockSpec(memory_space=pltpu.VMEM),
            pl.BlockSpec(memory_space=pltpu.SMEM),
            pl.BlockSpec(memory_space=pltpu.SMEM),
        ],
        out_specs=pl.BlockSpec(memory_space=pltpu.SMEM),
    )(parts, score8, tgt8)
    return jnp.reshape(out, ())

# --- scband reference (transcript-rebuilt; emitter-appended) ---
"""Pipeline reference for scband-ohem-cross-entropy-21526376087561 (READ-ONLY COPY).

The authoritative reference and input builder live on the scoring server;
editing this copy changes nothing except your own understanding.
"""

import jax, jax.numpy as jnp
import numpy as np

THRES = 0.7
MIN_KEPT = 131072
N = 1048576
C = 2


def setup_inputs(seed: int = 0) -> dict:
    key = jax.random.key(seed)
    k1, k2 = jax.random.split(key)
    score = jax.random.normal(k1, (N, C), dtype=jnp.float32)
    target = jax.random.randint(k2, (N,), 0, 2, dtype=jnp.int32)
    return {"score": score, "target": target}


def _bce_with_logits(logits, targets):
    # elementwise binary_cross_entropy_with_logits, reduction='none'
    return jnp.maximum(logits, 0.0) - logits * targets + jnp.log1p(jnp.exp(-jnp.abs(logits)))


def reference(score, target):
    pred = jax.nn.sigmoid(score)
    t = target.astype(score.dtype)
    # BCEWithLogitsLoss(reduction='none'); target broadcast over class dim
    pixel_losses = _bce_with_logits(score, t[:, None]).reshape(-1)
    mask = target.reshape(-1)  # integer index tensor, per torch long-index semantics
    # pred.gather(1, target.unsqueeze(1)).view(-1)
    pred_g = jnp.take_along_axis(pred, target[:, None], axis=1).reshape(-1)
    # pred.view(-1)[mask] -> integer gather, then sort
    pred_m = jnp.take(pred_g, mask)
    ind = jnp.argsort(pred_m)
    pred_s = jnp.take(pred_m, ind)
    idx = min(MIN_KEPT, pred_s.shape[0] - 1)
    min_value = pred_s[idx]
    threshold = jnp.maximum(min_value, THRES)
    pl = jnp.take(jnp.take(pixel_losses, mask), ind)
    keep = (pred_s < threshold).astype(score.dtype)
    # pixel_losses[pred < threshold].mean() expressed as masked mean (trace-safe)
    return jnp.sum(pl * keep) / jnp.maximum(jnp.sum(keep), 1.0)

if __name__ == "__main__":
    import jax
    _d = setup_inputs()
    print(jax.jit(kernel)(*tuple(_d.values())))

</pallas_src>

<mosaic_0001>
#map = affine_map<(d0, d1) -> (0)>
#map1 = affine_map<(d0, d1) -> (0, 0)>
module attributes {stable_mosaic.version = 14 : i64} {
  func.func @_sc_body(%arg0: i32, %arg1: i32, %arg2: memref<1048576xi32, #tpu.memory_space<hbm>>, %arg3: memref<32x16xi32, #tpu.memory_space<hbm>>, %arg4: memref<16384xi32, #tpu.memory_space<vmem>>, %arg5: memref<16xi32, #tpu.memory_space<vmem>>, %arg6: memref<2x!tpu.dma_semaphore, #tpu.memory_space<semaphore_mem>>) attributes {dimension_semantics = [#tpu.dimension_semantics<core_parallel>, #tpu.dimension_semantics<subcore_parallel>], iteration_bounds = array<i64: 2, 16>, scalar_prefetch = 0 : i64, scratch_operands = 3 : i64, tpu.core_type = #tpu.core_type<sc_vector_subcore>, window_params = [{transform_indices = #map}, {transform_indices = #map1}]} {
    %mul3A = arith.constant 2 : i32
    %mul3A_0 = arith.muli %arg1, %mul3A : i32
    %add3A = arith.addi %mul3A_0, %arg0 : i32
    %mul3A_1 = arith.constant 32768 : i32
    %mul3A_2 = arith.muli %add3A, %mul3A_1 : i32
    %add3A_3 = arith.constant 0 : i32
    %add3A_4 = arith.addi %mul3A_2, %add3A_3 : i32
    %dma_start3A = arith.constant 0 : i32
    %dma_start3A_5 = arith.constant 0 : i32
    %dma_start3A_6 = tpu.memref_slice %arg4[%dma_start3A_5] : memref<16384xi32, #tpu.memory_space<vmem>> -> memref<8192xi32, #tpu.memory_space<vmem>>
    %dma_start3A_7 = tpu.memref_slice %arg2[%add3A_4] : memref<1048576xi32, #tpu.memory_space<hbm>> -> memref<8192xi32, #tpu.memory_space<hbm>>
    %dma_start3A_8 = tpu.memref_slice %arg6[%dma_start3A] : memref<2x!tpu.dma_semaphore, #tpu.memory_space<semaphore_mem>> -> memref<1x!tpu.dma_semaphore, #tpu.memory_space<semaphore_mem>>
    %dma_start3A_9 = tpu.memref_squeeze %dma_start3A_8 : memref<1x!tpu.dma_semaphore, #tpu.memory_space<semaphore_mem>> -> memref<!tpu.dma_semaphore, #tpu.memory_space<semaphore_mem>>
    %dma_start3A_10 = arith.constant 0 : i32
    %dma_start3A_11 = tpu.memref_slice %arg4[%dma_start3A_10] : memref<16384xi32, #tpu.memory_space<vmem>> -> memref<8192xi32, #tpu.memory_space<vmem>>
    %dma_start3A_12 = tpu.memref_slice %arg2[%add3A_4] : memref<1048576xi32, #tpu.memory_space<hbm>> -> memref<8192xi32, #tpu.memory_space<hbm>>
    tpu.enqueue_dma source(%dma_start3A_12 : memref<8192xi32, #tpu.memory_space<hbm>>) target(%dma_start3A_11 : memref<8192xi32, #tpu.memory_space<vmem>>) target_semaphore(%dma_start3A_9 : memref<!tpu.dma_semaphore, #tpu.memory_space<semaphore_mem>>)
    %add3A_13 = arith.constant 8192 : i32
    %add3A_14 = arith.addi %mul3A_2, %add3A_13 : i32
    %dma_start3A_15 = arith.constant 1 : i32
    %dma_start3A_16 = arith.constant 8192 : i32
    %dma_start3A_17 = tpu.memref_slice %arg4[%dma_start3A_16] : memref<16384xi32, #tpu.memory_space<vmem>> -> memref<8192xi32, #tpu.memory_space<vmem>>
    %dma_start3A_18 = tpu.memref_slice %arg2[%add3A_14] : memref<1048576xi32, #tpu.memory_space<hbm>> -> memref<8192xi32, #tpu.memory_space<hbm>>
    %dma_start3A_19 = tpu.memref_slice %arg6[%dma_start3A_15] : memref<2x!tpu.dma_semaphore, #tpu.memory_space<semaphore_mem>> -> memref<1x!tpu.dma_semaphore, #tpu.memory_space<semaphore_mem>>
    %dma_start3A_20 = tpu.memref_squeeze %dma_start3A_19 : memref<1x!tpu.dma_semaphore, #tpu.memory_space<semaphore_mem>> -> memref<!tpu.dma_semaphore, #tpu.memory_space<semaphore_mem>>
    %dma_start3A_21 = arith.constant 8192 : i32
    %dma_start3A_22 = tpu.memref_slice %arg4[%dma_start3A_21] : memref<16384xi32, #tpu.memory_space<vmem>> -> memref<8192xi32, #tpu.memory_space<vmem>>
    %dma_start3A_23 = tpu.memref_slice %arg2[%add3A_14] : memref<1048576xi32, #tpu.memory_space<hbm>> -> memref<8192xi32, #tpu.memory_space<hbm>>
    tpu.enqueue_dma source(%dma_start3A_23 : memref<8192xi32, #tpu.memory_space<hbm>>) target(%dma_start3A_22 : memref<8192xi32, #tpu.memory_space<vmem>>) target_semaphore(%dma_start3A_20 : memref<!tpu.dma_semaphore, #tpu.memory_space<semaphore_mem>>)
    %broadcast_in_dim3A = arith.constant 0 : i32
    %broadcast_in_dim3A_24 = vector.broadcast %broadcast_in_dim3A : i32 to vector<16xi32>
    %dma_wait3A = arith.constant 0 : i32
    %dma_wait3A_25 = arith.constant 0 : i32
    %dma_wait3A_26 = tpu.memref_slice %arg4[%dma_wait3A_25] : memref<16384xi32, #tpu.memory_space<vmem>> -> memref<8192xi32, #tpu.memory_space<vmem>>
    %dma_wait3A_27 = tpu.memref_slice %arg2[%add3A_4] : memref<1048576xi32, #tpu.memory_space<hbm>> -> memref<8192xi32, #tpu.memory_space<hbm>>
    %dma_wait3A_28 = tpu.memref_slice %arg6[%dma_wait3A] : memref<2x!tpu.dma_semaphore, #tpu.memory_space<semaphore_mem>> -> memref<1x!tpu.dma_semaphore, #tpu.memory_space<semaphore_mem>>
    %dma_wait3A_29 = tpu.memref_squeeze %dma_wait3A_28 : memref<1x!tpu.dma_semaphore, #tpu.memory_space<semaphore_mem>> -> memref<!tpu.dma_semaphore, #tpu.memory_space<semaphore_mem>>
    %dma_wait3A_30 = arith.constant 0 : i32
    %dma_wait3A_31 = tpu.memref_slice %arg4[%dma_wait3A_30] : memref<16384xi32, #tpu.memory_space<vmem>> -> memref<8192xi32, #tpu.memory_space<vmem>>
    %dma_wait3A_32 = tpu.memref_slice %arg2[%add3A_4] : memref<1048576xi32, #tpu.memory_space<hbm>> -> memref<8192xi32, #tpu.memory_space<hbm>>
    tpu.wait_dma2 semaphore(%dma_wait3A_29 : memref<!tpu.dma_semaphore, #tpu.memory_space<semaphore_mem>>) src(%dma_wait3A_32 : memref<8192xi32, #tpu.memory_space<hbm>>) dst(%dma_wait3A_31 : memref<8192xi32, #tpu.memory_space<vmem>>)
    %scan3A = arith.constant 0 : i32
    %scan3A_33 = arith.constant 64 : i32
    %scan3A_34 = arith.addi %scan3A, %scan3A_33 : i32
    %scan3A_35 = arith.constant 1 : i32
    %scan3A_36:4 = scf.for %scan3A_109 = %scan3A to %scan3A_34 step %scan3A_35 iter_args(%scan3A_110 = %broadcast_in_dim3A_24, %scan3A_111 = %broadcast_in_dim3A_24, %scan3A_112 = %broadcast_in_dim3A_24, %scan3A_113 = %broadcast_in_dim3A_24) -> (vector<16xi32>, vector<16xi32>, vector<16xi32>, vector<16xi32>)  : i32 {
      %mul3A_114 = arith.constant 128 : i32
      %mul3A_115 = arith.muli %scan3A_109, %mul3A_114 : i32
      %add3A_116 = arith.constant 0 : i32
      %add3A_117 = arith.addi %add3A_116, %mul3A_115 : i32
      %add3A_118 = arith.constant 0 : i32
      %add3A_119 = arith.addi %add3A_117, %add3A_118 : i32
      %get3A = arith.index_cast %add3A_119 : i32 to index
      %get3A_120 = tpu.vector_load %arg4[%get3A] {strides = array<i32>} : memref<16384xi32, #tpu.memory_space<vmem>>, vector<16xi32>,
      %add3A_121 = arith.addi %scan3A_110, %get3A_120 : vector<16xi32>
      %add3A_122 = arith.constant 64 : i32
      %add3A_123 = arith.addi %add3A_117, %add3A_122 : i32
      %get3A_124 = arith.index_cast %add3A_123 : i32 to index
      %get3A_125 = tpu.vector_load %arg4[%get3A_124] {strides = array<i32>} : memref<16384xi32, #tpu.memory_space<vmem>>, vector<16xi32>,
      %add3A_126 = arith.addi %add3A_121, %get3A_125 : vector<16xi32>
      %add3A_127 = arith.constant 16 : i32
      %add3A_128 = arith.addi %add3A_117, %add3A_127 : i32
      %get3A_129 = arith.index_cast %add3A_128 : i32 to index
      %get3A_130 = tpu.vector_load %arg4[%get3A_129] {strides = array<i32>} : memref<16384xi32, #tpu.memory_space<vmem>>, vector<16xi32>,
      %add3A_131 = arith.addi %scan3A_111, %get3A_130 : vector<16xi32>
      %add3A_132 = arith.constant 80 : i32
      %add3A_133 = arith.addi %add3A_117, %add3A_132 : i32
      %get3A_134 = arith.index_cast %add3A_133 : i32 to index
      %get3A_135 = tpu.vector_load %arg4[%get3A_134] {strides = array<i32>} : memref<16384xi32, #tpu.memory_space<vmem>>, vector<16xi32>,
      %add3A_136 = arith.addi %add3A_131, %get3A_135 : vector<16xi32>
      %add3A_137 = arith.constant 32 : i32
      %add3A_138 = arith.addi %add3A_117, %add3A_137 : i32
      %get3A_139 = arith.index_cast %add3A_138 : i32 to index
      %get3A_140 = tpu.vector_load %arg4[%get3A_139] {strides = array<i32>} : memref<16384xi32, #tpu.memory_space<vmem>>, vector<16xi32>,
      %add3A_141 = arith.addi %scan3A_112, %get3A_140 : vector<16xi32>
      %add3A_142 = arith.constant 96 : i32
      %add3A_143 = arith.addi %add3A_117, %add3A_142 : i32
      %get3A_144 = arith.index_cast %add3A_143 : i32 to index
      %get3A_145 = tpu.vector_load %arg4[%get3A_144] {strides = array<i32>} : memref<16384xi32, #tpu.memory_space<vmem>>, vector<16xi32>,
      %add3A_146 = arith.addi %add3A_141, %get3A_145 : vector<16xi32>
      %add3A_147 = arith.constant 48 : i32
      %add3A_148 = arith.addi %add3A_117, %add3A_147 : i32
      %get3A_149 = arith.index_cast %add3A_148 : i32 to index
      %get3A_150 = tpu.vector_load %arg4[%get3A_149] {strides = array<i32>} : memref<16384xi32, #tpu.memory_space<vmem>>, vector<16xi32>,
      %add3A_151 = arith.addi %scan3A_113, %get3A_150 : vector<16xi32>
      %add3A_152 = arith.constant 112 : i32
      %add3A_153 = arith.addi %add3A_117, %add3A_152 : i32
      %get3A_154 = arith.index_cast %add3A_153 : i32 to index
      %get3A_155 = tpu.vector_load %arg4[%get3A_154] {strides = array<i32>} : memref<16384xi32, #tpu.memory_space<vmem>>, vector<16xi32>,
      %add3A_156 = arith.addi %add3A_151, %get3A_155 : vector<16xi32>
      scf.yield %add3A_126, %add3A_136, %add3A_146, %add3A_156 : vector<16xi32>, vector<16xi32>, vector<16xi32>, vector<16xi32>
    }
    %scan3A_37 = arith.constant 64 : i32
    %add3A_38 = arith.constant 16384 : i32
    %add3A_39 = arith.addi %mul3A_2, %add3A_38 : i32
    %dma_start3A_40 = arith.constant 0 : i32
    %dma_start3A_41 = arith.constant 0 : i32
    %dma_start3A_42 = tpu.memref_slice %arg4[%dma_start3A_41] : memref<16384xi32, #tpu.memory_space<vmem>> -> memref<8192xi32, #tpu.memory_space<vmem>>
    %dma_start3A_43 = tpu.memref_slice %arg2[%add3A_39] : memref<1048576xi32, #tpu.memory_space<hbm>> -> memref<8192xi32, #tpu.memory_space<hbm>>
    %dma_start3A_44 = tpu.memref_slice %arg6[%dma_start3A_40] : memref<2x!tpu.dma_semaphore, #tpu.memory_space<semaphore_mem>> -> memref<1x!tpu.dma_semaphore, #tpu.memory_space<semaphore_mem>>
    %dma_start3A_45 = tpu.memref_squeeze %dma_start3A_44 : memref<1x!tpu.dma_semaphore, #tpu.memory_space<semaphore_mem>> -> memref<!tpu.dma_semaphore, #tpu.memory_space<semaphore_mem>>
    %dma_start3A_46 = arith.constant 0 : i32
    %dma_start3A_47 = tpu.memref_slice %arg4[%dma_start3A_46] : memref<16384xi32, #tpu.memory_space<vmem>> -> memref<8192xi32, #tpu.memory_space<vmem>>
    %dma_start3A_48 = tpu.memref_slice %arg2[%add3A_39] : memref<1048576xi32, #tpu.memory_space<hbm>> -> memref<8192xi32, #tpu.memory_space<hbm>>
    tpu.enqueue_dma source(%dma_start3A_48 : memref<8192xi32, #tpu.memory_space<hbm>>) target(%dma_start3A_47 : memref<8192xi32, #tpu.memory_space<vmem>>) target_semaphore(%dma_start3A_45 : memref<!tpu.dma_semaphore, #tpu.memory_space<semaphore_mem>>)
    %dma_wait3A_49 = arith.constant 1 : i32
    %dma_wait3A_50 = arith.constant 8192 : i32
    %dma_wait3A_51 = tpu.memref_slice %arg4[%dma_wait3A_50] : memref<16384xi32, #tpu.memory_space<vmem>> -> memref<8192xi32, #tpu.memory_space<vmem>>
    %dma_wait3A_52 = tpu.memref_slice %arg2[%add3A_14] : memref<1048576xi32, #tpu.memory_space<hbm>> -> memref<8192xi32, #tpu.memory_space<hbm>>
    %dma_wait3A_53 = tpu.memref_slice %arg6[%dma_wait3A_49] : memref<2x!tpu.dma_semaphore, #tpu.memory_space<semaphore_mem>> -> memref<1x!tpu.dma_semaphore, #tpu.memory_space<semaphore_mem>>
    %dma_wait3A_54 = tpu.memref_squeeze %dma_wait3A_53 : memref<1x!tpu.dma_semaphore, #tpu.memory_space<semaphore_mem>> -> memref<!tpu.dma_semaphore, #tpu.memory_space<semaphore_mem>>
    %dma_wait3A_55 = arith.constant 8192 : i32
    %dma_wait3A_56 = tpu.memref_slice %arg4[%dma_wait3A_55] : memref<16384xi32, #tpu.memory_space<vmem>> -> memref<8192xi32, #tpu.memory_space<vmem>>
    %dma_wait3A_57 = tpu.memref_slice %arg2[%add3A_14] : memref<1048576xi32, #tpu.memory_space<hbm>> -> memref<8192xi32, #tpu.memory_space<hbm>>
    tpu.wait_dma2 semaphore(%dma_wait3A_54 : memref<!tpu.dma_semaphore, #tpu.memory_space<semaphore_mem>>) src(%dma_wait3A_57 : memref<8192xi32, #tpu.memory_space<hbm>>) dst(%dma_wait3A_56 : memref<8192xi32, #tpu.memory_space<vmem>>)
    %scan3A_58 = arith.constant 0 : i32
    %scan3A_59 = arith.constant 64 : i32
    %scan3A_60 = arith.addi %scan3A_58, %scan3A_59 : i32
    %scan3A_61 = arith.constant 1 : i32
    %scan3A_62:4 = scf.for %scan3A_109 = %scan3A_58 to %scan3A_60 step %scan3A_61 iter_args(%scan3A_110 = %scan3A_36#0, %scan3A_111 = %scan3A_36#1, %scan3A_112 = %scan3A_36#2, %scan3A_113 = %scan3A_36#3) -> (vector<16xi32>, vector<16xi32>, vector<16xi32>, vector<16xi32>)  : i32 {
      %mul3A_114 = arith.constant 128 : i32
      %mul3A_115 = arith.muli %scan3A_109, %mul3A_114 : i32
      %add3A_116 = arith.constant 8192 : i32
      %add3A_117 = arith.addi %add3A_116, %mul3A_115 : i32
      %add3A_118 = arith.constant 0 : i32
      %add3A_119 = arith.addi %add3A_117, %add3A_118 : i32
      %get3A = arith.index_cast %add3A_119 : i32 to index
      %get3A_120 = tpu.vector_load %arg4[%get3A] {strides = array<i32>} : memref<16384xi32, #tpu.memory_space<vmem>>, vector<16xi32>,
      %add3A_121 = arith.addi %scan3A_110, %get3A_120 : vector<16xi32>
      %add3A_122 = arith.constant 64 : i32
      %add3A_123 = arith.addi %add3A_117, %add3A_122 : i32
      %get3A_124 = arith.index_cast %add3A_123 : i32 to index
      %get3A_125 = tpu.vector_load %arg4[%get3A_124] {strides = array<i32>} : memref<16384xi32, #tpu.memory_space<vmem>>, vector<16xi32>,
      %add3A_126 = arith.addi %add3A_121, %get3A_125 : vector<16xi32>
      %add3A_127 = arith.constant 16 : i32
      %add3A_128 = arith.addi %add3A_117, %add3A_127 : i32
      %get3A_129 = arith.index_cast %add3A_128 : i32 to index
      %get3A_130 = tpu.vector_load %arg4[%get3A_129] {strides = array<i32>} : memref<16384xi32, #tpu.memory_space<vmem>>, vector<16xi32>,
      %add3A_131 = arith.addi %scan3A_111, %get3A_130 : vector<16xi32>
      %add3A_132 = arith.constant 80 : i32
      %add3A_133 = arith.addi %add3A_117, %add3A_132 : i32
      %get3A_134 = arith.index_cast %add3A_133 : i32 to index
      %get3A_135 = tpu.vector_load %arg4[%get3A_134] {strides = array<i32>} : memref<16384xi32, #tpu.memory_space<vmem>>, vector<16xi32>,
      %add3A_136 = arith.addi %add3A_131, %get3A_135 : vector<16xi32>
      %add3A_137 = arith.constant 32 : i32
      %add3A_138 = arith.addi %add3A_117, %add3A_137 : i32
      %get3A_139 = arith.index_cast %add3A_138 : i32 to index
      %get3A_140 = tpu.vector_load %arg4[%get3A_139] {strides = array<i32>} : memref<16384xi32, #tpu.memory_space<vmem>>, vector<16xi32>,
      %add3A_141 = arith.addi %scan3A_112, %get3A_140 : vector<16xi32>
      %add3A_142 = arith.constant 96 : i32
      %add3A_143 = arith.addi %add3A_117, %add3A_142 : i32
      %get3A_144 = arith.index_cast %add3A_143 : i32 to index
      %get3A_145 = tpu.vector_load %arg4[%get3A_144] {strides = array<i32>} : memref<16384xi32, #tpu.memory_space<vmem>>, vector<16xi32>,
      %add3A_146 = arith.addi %add3A_141, %get3A_145 : vector<16xi32>
      %add3A_147 = arith.constant 48 : i32
      %add3A_148 = arith.addi %add3A_117, %add3A_147 : i32
      %get3A_149 = arith.index_cast %add3A_148 : i32 to index
      %get3A_150 = tpu.vector_load %arg4[%get3A_149] {strides = array<i32>} : memref<16384xi32, #tpu.memory_space<vmem>>, vector<16xi32>,
      %add3A_151 = arith.addi %scan3A_113, %get3A_150 : vector<16xi32>
      %add3A_152 = arith.constant 112 : i32
      %add3A_153 = arith.addi %add3A_117, %add3A_152 : i32
      %get3A_154 = arith.index_cast %add3A_153 : i32 to index
      %get3A_155 = tpu.vector_load %arg4[%get3A_154] {strides = array<i32>} : memref<16384xi32, #tpu.memory_space<vmem>>, vector<16xi32>,
      %add3A_156 = arith.addi %add3A_151, %get3A_155 : vector<16xi32>
      scf.yield %add3A_126, %add3A_136, %add3A_146, %add3A_156 : vector<16xi32>, vector<16xi32>, vector<16xi32>, vector<16xi32>
    }
    %scan3A_63 = arith.constant 64 : i32
    %add3A_64 = arith.constant 24576 : i32
    %add3A_65 = arith.addi %mul3A_2, %add3A_64 : i32
    %dma_start3A_66 = arith.constant 1 : i32
    %dma_start3A_67 = arith.constant 8192 : i32
    %dma_start3A_68 = tpu.memref_slice %arg4[%dma_start3A_67] : memref<16384xi32, #tpu.memory_space<vmem>> -> memref<8192xi32, #tpu.memory_space<vmem>>
    %dma_start3A_69 = tpu.memref_slice %arg2[%add3A_65] : memref<1048576xi32, #tpu.memory_space<hbm>> -> memref<8192xi32, #tpu.memory_space<hbm>>
    %dma_start3A_70 = tpu.memref_slice %arg6[%dma_start3A_66] : memref<2x!tpu.dma_semaphore, #tpu.memory_space<semaphore_mem>> -> memref<1x!tpu.dma_semaphore, #tpu.memory_space<semaphore_mem>>
    %dma_start3A_71 = tpu.memref_squeeze %dma_start3A_70 : memref<1x!tpu.dma_semaphore, #tpu.memory_space<semaphore_mem>> -> memref<!tpu.dma_semaphore, #tpu.memory_space<semaphore_mem>>
    %dma_start3A_72 = arith.constant 8192 : i32
    %dma_start3A_73 = tpu.memref_slice %arg4[%dma_start3A_72] : memref<16384xi32, #tpu.memory_space<vmem>> -> memref<8192xi32, #tpu.memory_space<vmem>>
    %dma_start3A_74 = tpu.memref_slice %arg2[%add3A_65] : memref<1048576xi32, #tpu.memory_space<hbm>> -> memref<8192xi32, #tpu.memory_space<hbm>>
    tpu.enqueue_dma source(%dma_start3A_74 : memref<8192xi32, #tpu.memory_space<hbm>>) target(%dma_start3A_73 : memref<8192xi32, #tpu.memory_space<vmem>>) target_semaphore(%dma_start3A_71 : memref<!tpu.dma_semaphore, #tpu.memory_space<semaphore_mem>>)
    %dma_wait3A_75 = arith.constant 0 : i32
    %dma_wait3A_76 = arith.constant 0 : i32
    %dma_wait3A_77 = tpu.memref_slice %arg4[%dma_wait3A_76] : memref<16384xi32, #tpu.memory_space<vmem>> -> memref<8192xi32, #tpu.memory_space<vmem>>
    %dma_wait3A_78 = tpu.memref_slice %arg2[%add3A_39] : memref<1048576xi32, #tpu.memory_space<hbm>> -> memref<8192xi32, #tpu.memory_space<hbm>>
    %dma_wait3A_79 = tpu.memref_slice %arg6[%dma_wait3A_75] : memref<2x!tpu.dma_semaphore, #tpu.memory_space<semaphore_mem>> -> memref<1x!tpu.dma_semaphore, #tpu.memory_space<semaphore_mem>>
    %dma_wait3A_80 = tpu.memref_squeeze %dma_wait3A_79 : memref<1x!tpu.dma_semaphore, #tpu.memory_space<semaphore_mem>> -> memref<!tpu.dma_semaphore, #tpu.memory_space<semaphore_mem>>
    %dma_wait3A_81 = arith.constant 0 : i32
    %dma_wait3A_82 = tpu.memref_slice %arg4[%dma_wait3A_81] : memref<16384xi32, #tpu.memory_space<vmem>> -> memref<8192xi32, #tpu.memory_space<vmem>>
    %dma_wait3A_83 = tpu.memref_slice %arg2[%add3A_39] : memref<1048576xi32, #tpu.memory_space<hbm>> -> memref<8192xi32, #tpu.memory_space<hbm>>
    tpu.wait_dma2 semaphore(%dma_wait3A_80 : memref<!tpu.dma_semaphore, #tpu.memory_space<semaphore_mem>>) src(%dma_wait3A_83 : memref<8192xi32, #tpu.memory_space<hbm>>) dst(%dma_wait3A_82 : memref<8192xi32, #tpu.memory_space<vmem>>)
    %scan3A_84 = arith.constant 0 : i32
    %scan3A_85 = arith.constant 64 : i32
    %scan3A_86 = arith.addi %scan3A_84, %scan3A_85 : i32
    %scan3A_87 = arith.constant 1 : i32
    %scan3A_88:4 = scf.for %scan3A_109 = %scan3A_84 to %scan3A_86 step %scan3A_87 iter_args(%scan3A_110 = %scan3A_62#0, %scan3A_111 = %scan3A_62#1, %scan3A_112 = %scan3A_62#2, %scan3A_113 = %scan3A_62#3) -> (vector<16xi32>, vector<16xi32>, vector<16xi32>, vector<16xi32>)  : i32 {
      %mul3A_114 = arith.constant 128 : i32
      %mul3A_115 = arith.muli %scan3A_109, %mul3A_114 : i32
      %add3A_116 = arith.constant 0 : i32
      %add3A_117 = arith.addi %add3A_116, %mul3A_115 : i32
      %add3A_118 = arith.constant 0 : i32
      %add3A_119 = arith.addi %add3A_117, %add3A_118 : i32
      %get3A = arith.index_cast %add3A_119 : i32 to index
      %get3A_120 = tpu.vector_load %arg4[%get3A] {strides = array<i32>} : memref<16384xi32, #tpu.memory_space<vmem>>, vector<16xi32>,
      %add3A_121 = arith.addi %scan3A_110, %get3A_120 : vector<16xi32>
      %add3A_122 = arith.constant 64 : i32
      %add3A_123 = arith.addi %add3A_117, %add3A_122 : i32
      %get3A_124 = arith.index_cast %add3A_123 : i32 to index
      %get3A_125 = tpu.vector_load %arg4[%get3A_124] {strides = array<i32>} : memref<16384xi32, #tpu.memory_space<vmem>>, vector<16xi32>,
      %add3A_126 = arith.addi %add3A_121, %get3A_125 : vector<16xi32>
      %add3A_127 = arith.constant 16 : i32
      %add3A_128 = arith.addi %add3A_117, %add3A_127 : i32
      %get3A_129 = arith.index_cast %add3A_128 : i32 to index
      %get3A_130 = tpu.vector_load %arg4[%get3A_129] {strides = array<i32>} : memref<16384xi32, #tpu.memory_space<vmem>>, vector<16xi32>,
      %add3A_131 = arith.addi %scan3A_111, %get3A_130 : vector<16xi32>
      %add3A_132 = arith.constant 80 : i32
      %add3A_133 = arith.addi %add3A_117, %add3A_132 : i32
      %get3A_134 = arith.index_cast %add3A_133 : i32 to index
      %get3A_135 = tpu.vector_load %arg4[%get3A_134] {strides = array<i32>} : memref<16384xi32, #tpu.memory_space<vmem>>, vector<16xi32>,
      %add3A_136 = arith.addi %add3A_131, %get3A_135 : vector<16xi32>
      %add3A_137 = arith.constant 32 : i32
      %add3A_138 = arith.addi %add3A_117, %add3A_137 : i32
      %get3A_139 = arith.index_cast %add3A_138 : i32 to index
      %get3A_140 = tpu.vector_load %arg4[%get3A_139] {strides = array<i32>} : memref<16384xi32, #tpu.memory_space<vmem>>, vector<16xi32>,
      %add3A_141 = arith.addi %scan3A_112, %get3A_140 : vector<16xi32>
      %add3A_142 = arith.constant 96 : i32
      %add3A_143 = arith.addi %add3A_117, %add3A_142 : i32
      %get3A_144 = arith.index_cast %add3A_143 : i32 to index
      %get3A_145 = tpu.vector_load %arg4[%get3A_144] {strides = array<i32>} : memref<16384xi32, #tpu.memory_space<vmem>>, vector<16xi32>,
      %add3A_146 = arith.addi %add3A_141, %get3A_145 : vector<16xi32>
      %add3A_147 = arith.constant 48 : i32
      %add3A_148 = arith.addi %add3A_117, %add3A_147 : i32
      %get3A_149 = arith.index_cast %add3A_148 : i32 to index
      %get3A_150 = tpu.vector_load %arg4[%get3A_149] {strides = array<i32>} : memref<16384xi32, #tpu.memory_space<vmem>>, vector<16xi32>,
      %add3A_151 = arith.addi %scan3A_113, %get3A_150 : vector<16xi32>
      %add3A_152 = arith.constant 112 : i32
      %add3A_153 = arith.addi %add3A_117, %add3A_152 : i32
      %get3A_154 = arith.index_cast %add3A_153 : i32 to index
      %get3A_155 = tpu.vector_load %arg4[%get3A_154] {strides = array<i32>} : memref<16384xi32, #tpu.memory_space<vmem>>, vector<16xi32>,
      %add3A_156 = arith.addi %add3A_151, %get3A_155 : vector<16xi32>
      scf.yield %add3A_126, %add3A_136, %add3A_146, %add3A_156 : vector<16xi32>, vector<16xi32>, vector<16xi32>, vector<16xi32>
    }
    %scan3A_89 = arith.constant 64 : i32
    %dma_wait3A_90 = arith.constant 1 : i32
    %dma_wait3A_91 = arith.constant 8192 : i32
    %dma_wait3A_92 = tpu.memref_slice %arg4[%dma_wait3A_91] : memref<16384xi32, #tpu.memory_space<vmem>> -> memref<8192xi32, #tpu.memory_space<vmem>>
    %dma_wait3A_93 = tpu.memref_slice %arg2[%add3A_65] : memref<1048576xi32, #tpu.memory_space<hbm>> -> memref<8192xi32, #tpu.memory_space<hbm>>
    %dma_wait3A_94 = tpu.memref_slice %arg6[%dma_wait3A_90] : memref<2x!tpu.dma_semaphore, #tpu.memory_space<semaphore_mem>> -> memref<1x!tpu.dma_semaphore, #tpu.memory_space<semaphore_mem>>
    %dma_wait3A_95 = tpu.memref_squeeze %dma_wait3A_94 : memref<1x!tpu.dma_semaphore, #tpu.memory_space<semaphore_mem>> -> memref<!tpu.dma_semaphore, #tpu.memory_space<semaphore_mem>>
    %dma_wait3A_96 = arith.constant 8192 : i32
    %dma_wait3A_97 = tpu.memref_slice %arg4[%dma_wait3A_96] : memref<16384xi32, #tpu.memory_space<vmem>> -> memref<8192xi32, #tpu.memory_space<vmem>>
    %dma_wait3A_98 = tpu.memref_slice %arg2[%add3A_65] : memref<1048576xi32, #tpu.memory_space<hbm>> -> memref<8192xi32, #tpu.memory_space<hbm>>
    tpu.wait_dma2 semaphore(%dma_wait3A_95 : memref<!tpu.dma_semaphore, #tpu.memory_space<semaphore_mem>>) src(%dma_wait3A_98 : memref<8192xi32, #tpu.memory_space<hbm>>) dst(%dma_wait3A_97 : memref<8192xi32, #tpu.memory_space<vmem>>)
    %scan3A_99 = arith.constant 0 : i32
    %scan3A_100 = arith.constant 64 : i32
    %scan3A_101 = arith.addi %scan3A_99, %scan3A_100 : i32
    %scan3A_102 = arith.constant 1 : i32
    %scan3A_103:4 = scf.for %scan3A_109 = %scan3A_99 to %scan3A_101 step %scan3A_102 iter_args(%scan3A_110 = %scan3A_88#0, %scan3A_111 = %scan3A_88#1, %scan3A_112 = %scan3A_88#2, %scan3A_113 = %scan3A_88#3) -> (vector<16xi32>, vector<16xi32>, vector<16xi32>, vector<16xi32>)  : i32 {
      %mul3A_114 = arith.constant 128 : i32
      %mul3A_115 = arith.muli %scan3A_109, %mul3A_114 : i32
      %add3A_116 = arith.constant 8192 : i32
      %add3A_117 = arith.addi %add3A_116, %mul3A_115 : i32
      %add3A_118 = arith.constant 0 : i32
      %add3A_119 = arith.addi %add3A_117, %add3A_118 : i32
      %get3A = arith.index_cast %add3A_119 : i32 to index
      %get3A_120 = tpu.vector_load %arg4[%get3A] {strides = array<i32>} : memref<16384xi32, #tpu.memory_space<vmem>>, vector<16xi32>,
      %add3A_121 = arith.addi %scan3A_110, %get3A_120 : vector<16xi32>
      %add3A_122 = arith.constant 64 : i32
      %add3A_123 = arith.addi %add3A_117, %add3A_122 : i32
      %get3A_124 = arith.index_cast %add3A_123 : i32 to index
      %get3A_125 = tpu.vector_load %arg4[%get3A_124] {strides = array<i32>} : memref<16384xi32, #tpu.memory_space<vmem>>, vector<16xi32>,
      %add3A_126 = arith.addi %add3A_121, %get3A_125 : vector<16xi32>
      %add3A_127 = arith.constant 16 : i32
      %add3A_128 = arith.addi %add3A_117, %add3A_127 : i32
      %get3A_129 = arith.index_cast %add3A_128 : i32 to index
      %get3A_130 = tpu.vector_load %arg4[%get3A_129] {strides = array<i32>} : memref<16384xi32, #tpu.memory_space<vmem>>, vector<16xi32>,
      %add3A_131 = arith.addi %scan3A_111, %get3A_130 : vector<16xi32>
      %add3A_132 = arith.constant 80 : i32
      %add3A_133 = arith.addi %add3A_117, %add3A_132 : i32
      %get3A_134 = arith.index_cast %add3A_133 : i32 to index
      %get3A_135 = tpu.vector_load %arg4[%get3A_134] {strides = array<i32>} : memref<16384xi32, #tpu.memory_space<vmem>>, vector<16xi32>,
      %add3A_136 = arith.addi %add3A_131, %get3A_135 : vector<16xi32>
      %add3A_137 = arith.constant 32 : i32
      %add3A_138 = arith.addi %add3A_117, %add3A_137 : i32
      %get3A_139 = arith.index_cast %add3A_138 : i32 to index
      %get3A_140 = tpu.vector_load %arg4[%get3A_139] {strides = array<i32>} : memref<16384xi32, #tpu.memory_space<vmem>>, vector<16xi32>,
      %add3A_141 = arith.addi %scan3A_112, %get3A_140 : vector<16xi32>
      %add3A_142 = arith.constant 96 : i32
      %add3A_143 = arith.addi %add3A_117, %add3A_142 : i32
      %get3A_144 = arith.index_cast %add3A_143 : i32 to index
      %get3A_145 = tpu.vector_load %arg4[%get3A_144] {strides = array<i32>} : memref<16384xi32, #tpu.memory_space<vmem>>, vector<16xi32>,
      %add3A_146 = arith.addi %add3A_141, %get3A_145 : vector<16xi32>
      %add3A_147 = arith.constant 48 : i32
      %add3A_148 = arith.addi %add3A_117, %add3A_147 : i32
      %get3A_149 = arith.index_cast %add3A_148 : i32 to index
      %get3A_150 = tpu.vector_load %arg4[%get3A_149] {strides = array<i32>} : memref<16384xi32, #tpu.memory_space<vmem>>, vector<16xi32>,
      %add3A_151 = arith.addi %scan3A_113, %get3A_150 : vector<16xi32>
      %add3A_152 = arith.constant 112 : i32
      %add3A_153 = arith.addi %add3A_117, %add3A_152 : i32
      %get3A_154 = arith.index_cast %add3A_153 : i32 to index
      %get3A_155 = tpu.vector_load %arg4[%get3A_154] {strides = array<i32>} : memref<16384xi32, #tpu.memory_space<vmem>>, vector<16xi32>,
      %add3A_156 = arith.addi %add3A_151, %get3A_155 : vector<16xi32>
      scf.yield %add3A_126, %add3A_136, %add3A_146, %add3A_156 : vector<16xi32>, vector<16xi32>, vector<16xi32>, vector<16xi32>
    }
    %scan3A_104 = arith.constant 64 : i32
    %add3A_105 = arith.addi %scan3A_103#0, %scan3A_103#1 : vector<16xi32>
    %add3A_106 = arith.addi %scan3A_103#2, %scan3A_103#3 : vector<16xi32>
    %add3A_107 = arith.addi %add3A_105, %add3A_106 : vector<16xi32>
    %swap3A = arith.constant 0 : index
    %swap3A_108 = tpu.vector_load %arg5[%swap3A] {strides = array<i32>} : memref<16xi32, #tpu.memory_space<vmem>>, vector<16xi32>,
    tpu.vector_store %arg5[%swap3A], %add3A_107 {strides = array<i32>} : memref<16xi32, #tpu.memory_space<vmem>>, vector<16xi32>,
    "tpu.region"() ({
      %run_scoped3A = tpu.sem_alloc : memref<!tpu.dma_semaphore, #tpu.memory_space<semaphore_mem>>
      %dma_start3A_109 = arith.constant 0 : i32
      %dma_start3A_110 = tpu.memref_slice %arg3[%add3A, %dma_start3A_109] : memref<32x16xi32, #tpu.memory_space<hbm>> -> memref<1x16xi32, #tpu.memory_space<hbm>>
      %dma_start3A_111 = tpu.memref_squeeze %dma_start3A_110 : memref<1x16xi32, #tpu.memory_space<hbm>> -> memref<16xi32, #tpu.memory_space<hbm>>
      %dma_start3A_112 = arith.constant 0 : i32
      %dma_start3A_113 = tpu.memref_slice %arg3[%add3A, %dma_start3A_112] : memref<32x16xi32, #tpu.memory_space<hbm>> -> memref<1x16xi32, #tpu.memory_space<hbm>>
      %dma_start3A_114 = tpu.memref_squeeze %dma_start3A_113 : memref<1x16xi32, #tpu.memory_space<hbm>> -> memref<16xi32, #tpu.memory_space<hbm>>
      tpu.enqueue_dma source(%arg5 : memref<16xi32, #tpu.memory_space<vmem>>) target(%dma_start3A_114 : memref<16xi32, #tpu.memory_space<hbm>>) target_semaphore(%run_scoped3A : memref<!tpu.dma_semaphore, #tpu.memory_space<semaphore_mem>>)
      %dma_wait3A_115 = arith.constant 0 : i32
      %dma_wait3A_116 = tpu.memref_slice %arg3[%add3A, %dma_wait3A_115] : memref<32x16xi32, #tpu.memory_space<hbm>> -> memref<1x16xi32, #tpu.memory_space<hbm>>
      %dma_wait3A_117 = tpu.memref_squeeze %dma_wait3A_116 : memref<1x16xi32, #tpu.memory_space<hbm>> -> memref<16xi32, #tpu.memory_space<hbm>>
      %dma_wait3A_118 = arith.constant 0 : i32
      %dma_wait3A_119 = tpu.memref_slice %arg3[%add3A, %dma_wait3A_118] : memref<32x16xi32, #tpu.memory_space<hbm>> -> memref<1x16xi32, #tpu.memory_space<hbm>>
      %dma_wait3A_120 = tpu.memref_squeeze %dma_wait3A_119 : memref<1x16xi32, #tpu.memory_space<hbm>> -> memref<16xi32, #tpu.memory_space<hbm>>
      tpu.wait_dma2 semaphore(%run_scoped3A : memref<!tpu.dma_semaphore, #tpu.memory_space<semaphore_mem>>) src(%arg5 : memref<16xi32, #tpu.memory_space<vmem>>) dst(%dma_wait3A_120 : memref<16xi32, #tpu.memory_space<hbm>>)
      tpu.yield
    }) : () -> ()
    return
  }
}

module attributes {stable_mosaic.version = 14 : i64} {
  func.func @_tc_body(%arg0: memref<32x16xi32, #tpu.memory_space<vmem>>, %arg1: memref<8x2xf32, #tpu.memory_space<smem>>, %arg2: memref<8xi32, #tpu.memory_space<smem>>, %arg3: memref<1xf32, #tpu.memory_space<smem>>) attributes {dimension_semantics = [], scalar_prefetch = 0 : i64, scratch_operands = 0 : i64, tpu.core_type = #tpu.core_type<tc>} {
    %get3A = arith.constant 0 : index
    %get3A_0 = arith.constant 0 : index
    %get3A_1 = vector.load %arg0[%get3A, %get3A_0] : memref<32x16xi32, #tpu.memory_space<vmem>>, vector<32x16xi32>
    %reduce_sum3A = vector.shape_cast %get3A_1 : vector<32x16xi32> to vector<1x32x16xi32>
    %reduce_sum3A_2 = arith.constant dense<0> : vector<1xi32>
    %reduce_sum3A_3 = vector.multi_reduction <add>, %reduce_sum3A, %reduce_sum3A_2 [1, 2] : vector<1x32x16xi32> to vector<1xi32>
    %reduce_sum3A_4 = vector.shape_cast %reduce_sum3A_3 : vector<1xi32> to vector<1x1x1xi32>
    %reduce_sum3A_5 = vector.extract %reduce_sum3A_4[0, 0, 0] : i32 from vector<1x1x1xi32>
    %sub3A = arith.constant 1048576 : i32
    %sub3A_6 = arith.subi %sub3A, %reduce_sum3A_5 : i32
    %get3A_7 = arith.constant 0 : index
    %get3A_8 = memref.load %arg2[%get3A_7] : memref<8xi32, #tpu.memory_space<smem>>
    %get3A_9 = arith.constant 1 : index
    %get3A_10 = memref.load %arg2[%get3A_9] : memref<8xi32, #tpu.memory_space<smem>>
    %get3A_11 = arith.constant 0 : index
    %get3A_12 = arith.constant 0 : index
    %get3A_13 = memref.load %arg1[%get3A_11, %get3A_12] : memref<8x2xf32, #tpu.memory_space<smem>>
    %get3A_14 = arith.constant 0 : index
    %get3A_15 = arith.constant 1 : index
    %get3A_16 = memref.load %arg1[%get3A_14, %get3A_15] : memref<8x2xf32, #tpu.memory_space<smem>>
    %get3A_17 = arith.constant 1 : index
    %get3A_18 = arith.constant 0 : index
    %get3A_19 = memref.load %arg1[%get3A_17, %get3A_18] : memref<8x2xf32, #tpu.memory_space<smem>>
    %get3A_20 = arith.constant 1 : index
    %get3A_21 = arith.constant 1 : index
    %get3A_22 = memref.load %arg1[%get3A_20, %get3A_21] : memref<8x2xf32, #tpu.memory_space<smem>>
    %convert_element_type3A = arith.sitofp %get3A_8 : i32 to f32
    %eq3A = arith.constant 0 : i32
    %eq3A_23 = arith.cmpi eq, %get3A_8, %eq3A : i32
    %select_n3A = arith.select %eq3A_23, %get3A_13, %get3A_16 : f32
    %logistic3A = arith.negf %select_n3A : f32
    %logistic3A_24 = math.exp %logistic3A : f32
    %logistic3A_25 = arith.constant 1.000000e+00 : f32
    %logistic3A_26 = arith.addf %logistic3A_25, %logistic3A_24 : f32
    %logistic3A_27 = arith.divf %logistic3A_25, %logistic3A_26 : f32
    %eq3A_28 = arith.constant 0 : i32
    %eq3A_29 = arith.cmpi eq, %get3A_10, %eq3A_28 : i32
    %select_n3A_30 = arith.select %eq3A_29, %get3A_19, %get3A_22 : f32
    %logistic3A_31 = arith.negf %select_n3A_30 : f32
    %logistic3A_32 = math.exp %logistic3A_31 : f32
    %logistic3A_33 = arith.constant 1.000000e+00 : f32
    %logistic3A_34 = arith.addf %logistic3A_33, %logistic3A_32 : f32
    %logistic3A_35 = arith.divf %logistic3A_33, %logistic3A_34 : f32
    %max3A = arith.constant 0.000000e+00 : f32
    %max3A_36 = arith.maximumf %get3A_13, %max3A : f32
    %mul3A = arith.mulf %get3A_13, %convert_element_type3A : f32
    %sub3A_37 = arith.subf %max3A_36, %mul3A : f32
    %abs3A = math.absf %get3A_13 : f32
    %neg3A = arith.constant 0.000000e+00 : f32
    %neg3A_38 = arith.subf %neg3A, %abs3A : f32
    %exp3A = math.exp %neg3A_38 : f32
    %log1p3A = math.log1p %exp3A : f32
    %add3A = arith.addf %sub3A_37, %log1p3A : f32
    %max3A_39 = arith.constant 0.000000e+00 : f32
    %max3A_40 = arith.maximumf %get3A_16, %max3A_39 : f32
    %mul3A_41 = arith.mulf %get3A_16, %convert_element_type3A : f32
    %sub3A_42 = arith.subf %max3A_40, %mul3A_41 : f32
    %abs3A_43 = math.absf %get3A_16 : f32
    %neg3A_44 = arith.constant 0.000000e+00 : f32
    %neg3A_45 = arith.subf %neg3A_44, %abs3A_43 : f32
    %exp3A_46 = math.exp %neg3A_45 : f32
    %log1p3A_47 = math.log1p %exp3A_46 : f32
    %add3A_48 = arith.addf %sub3A_42, %log1p3A_47 : f32
    %lt3A = arith.cmpf olt, %logistic3A_27, %logistic3A_35 : f32
    %gt3A = arith.constant 131072 : i32
    %gt3A_49 = arith.cmpi sgt, %sub3A_6, %gt3A : i32
    %select_n3A_50 = arith.select %gt3A_49, %logistic3A_27, %logistic3A_35 : f32
    %gt3A_51 = arith.cmpf ogt, %logistic3A_27, %logistic3A_35 : f32
    %gt3A_52 = arith.constant 131072 : i32
    %gt3A_53 = arith.cmpi sgt, %reduce_sum3A_5, %gt3A_52 : i32
    %select_n3A_54 = arith.select %gt3A_53, %logistic3A_35, %logistic3A_27 : f32
    %select_n3A_55 = arith.select %gt3A_51, %select_n3A_54, %logistic3A_27 : f32
    %select_n3A_56 = arith.select %lt3A, %select_n3A_50, %select_n3A_55 : f32
    %max3A_57 = arith.constant 0.699999988 : f32
    %max3A_58 = arith.maximumf %select_n3A_56, %max3A_57 : f32
    %convert_element_type3A_59 = arith.sitofp %sub3A_6 : i32 to f32
    %convert_element_type3A_60 = arith.sitofp %reduce_sum3A_5 : i32 to f32
    %lt3A_61 = arith.cmpf olt, %logistic3A_27, %max3A_58 : f32
    %jit3A = arith.constant 0.000000e+00 : f32
    %select_n3A_62 = arith.select %lt3A_61, %convert_element_type3A_59, %jit3A : f32
    %lt3A_63 = arith.cmpf olt, %logistic3A_35, %max3A_58 : f32
    %jit3A_64 = arith.constant 0.000000e+00 : f32
    %select_n3A_65 = arith.select %lt3A_63, %convert_element_type3A_60, %jit3A_64 : f32
    %mul3A_66 = arith.mulf %add3A, %select_n3A_62 : f32
    %mul3A_67 = arith.mulf %add3A_48, %select_n3A_65 : f32
    %add3A_68 = arith.addf %mul3A_66, %mul3A_67 : f32
    %add3A_69 = arith.addf %select_n3A_62, %select_n3A_65 : f32
    %max3A_70 = arith.constant 1.000000e+00 : f32
    %max3A_71 = arith.maximumf %add3A_69, %max3A_70 : f32
    %div3A = arith.divf %add3A_68, %max3A_71 : f32
    %swap3A = arith.constant 0 : index
    %swap3A_72 = memref.load %arg3[%swap3A] : memref<1xf32, #tpu.memory_space<smem>>
    memref.store %div3A, %arg3[%swap3A] : memref<1xf32, #tpu.memory_space<smem>>
    return
  }
}

</mosaic_0001>

<sc_bundles>
// kernel: kernel.4.cloned.1.call-start
scs
__scs_entry_jumppad:
0x0: {  	(pc) =	sbr.rel $0x88, $3  }
0x1: {  	(tag) =	ssettag $0x0;
	lr =	simm.s32 $0x1  }
0x2: {  	[smem:$0x3F9F] =	sst lr;
	_ =	strace $0xD0000000  }
0x3: {  	_ = 	snop  }
0x4: {  	_ = 	snop  }
0x5: {  	_ = 	snop  }
0x6: {  	_ = 	snop  }
0x7: {  	_ = 	snop  }
__scs_overlays_trampoline_lowered:
0x8: {  	[smem:$0x3FAE] =	sst s0  }
0x9: {  	[smem:$0x3FAF] =	sst s1  }
0xa: {  	[smem:$0x3FB0] =	sst s2  }
0xb: {  	[smem:$0x3FB1] =	sst s3  }
0xc: {  	[smem:$0x3FB2] =	sst s4  }
0xd: {  	[smem:$0x3FB3] =	sst s5  }
0xe: {  	[smem:$0x3FB4] =	sst s6  }
0xf: {  	[smem:$0x3FB5] =	sst s7  }
0x10: {  	[smem:$0x3FB6] =	sst s8  }
0x11: {  	[smem:$0x3FB7] =	sst s9;
	s0 =	simm.s32 @!p0 $0x0  }
0x12: {  	s1 =	sld [smem:$0x3F9D];
	s0 =	simm.s32 @p0 $0x1  }
0x13: {  	[smem:$0x3FB8] =	sst s0;
	s0 =	simm.s32 @!p1 $0x0  }
0x14: {  	s2 =	sld [smem:$0x3F9C];
	s0 =	simm.s32 @p1 $0x1  }
0x15: {  	[smem:$0x3FB9] =	sst s0;
	s0 =	simm.s32 @!p2 $0x0  }
0x16: {  	s3 =	sld [smem:$0x3FDB];
	s0 =	simm.s32 @p2 $0x1  }
0x17: {  	s4 =	simm.s32 $0x1BF5;
	[smem:$0x3FBB] =	sst s0  }
0x18: {  	s0 =	sld [smem:$0x3F9E];
	_ =	swait.ge [sflag:s4], $0x0  }
0x19: {  	s7 =	sld [smem:$0x3F9F]  }
0x1a: {  	s8 =	sadd.s32 $0xFFFFE003, lr  }
0x1b: {  	s9 =	sadd.s32 $0xFFFFFEF7, lr;
	s5 =	simm.s32 $0xFFFFFFFF;
	p2 =	slt.u32 s8, $0xFFFFF086  }
0x1c: {  	p1 =	slt.u32 s9, $0xF7A;
	s5 =	simm.s32 @!p2 $0x0  }
0x1d: {  	s5 =	simm.s32 @p1 $0x1;
	p0 =	seq.s32 s7, s2  }
0x1e: {  	s7 =	smul.u32 @!p0 $0xF7A, s2;
	p2 =	seq.s32 @!p0 s5, $0x0  }
0x1f: {  	s9 =	smul.u32 $0xF7A, s1;
	s8 =	simm.s32 @!p0 $0x1BF5;
	p2 =	por !p2, p0  }
0x20: {  	[sflag:s8] =	ssyncset.s32 @!p0 $0xFFFFF086;
	s6 =	sadd.s32 @!p0 s3, s7;
	s7 =	simm.s32 @!p0 $0x108  }
0x21: {  	s3 =	sadd.s32 s3, s9;
	s6 =	sadd.s32 @!p0 $0x88, s6;
	s7 =	simm.s32 @p2 $0x1082  }
0x22: {  	[simem:s7], [sflag:s8] =	dma.local @!p0 [hbm:s6], $0xF7A  }
0x23: {  	s9 =	sor.u32 $0xD0000000, s2;
	s6 =	simm.s32 $0x108;
	_ =	swait.ge @!p0 [sflag:s8], $0x0  }
0x24: {  	s3 =	sadd.s32 $0x88, s3;
	s6 =	simm.s32 @!p1 $0x1082;
	[sflag:s4] =	ssyncset.s32 $0xFFFFF086  }
0x25: {  	[simem:s6], [sflag:s4] =	dma.local [hbm:s3], $0xF7A  }
0x26: {  	[smem:$0x3F9F] =	sst s1;
	(tag) =	ssettag s2;
	_ =	strace s9  }
0x27: {  	s1 =	sld [smem:$0x3FAF]  }
0x28: {  	s2 =	sld [smem:$0x3FB0]  }
0x29: {  	s4 =	sld [smem:$0x3FB2]  }
0x2a: {  	p0 =	seq.s32 s5, $0x0;
	s5 =	sld [smem:$0x3FB3]  }
0x2b: {  	s6 =	sld [smem:$0x3FB4]  }
0x2c: {  	s7 =	sld [smem:$0x3FB5]  }
0x2d: {  	s3 =	simm.s32 $0x108;
	s8 =	sld [smem:$0x3FB6]  }
0x2e: {  	s3 =	simm.s32 @!p0 $0x1082;
	s9 =	sld [smem:$0x3FB7]  }
0x2f: {  	lr =	sadd.s32 s0, s3;
	s0 =	sld [smem:$0x3FAE]  }
0x30: {  	s3 =	sld [smem:$0x3FB1]  }
0x31: {  	[smem:$0x3FBA] =	sst s10  }
0x32: {  	s10 =	sld [smem:$0x3FB8];
	_ =	sdelay $0x3  }
0x33: {  	p0 =	seq.s32 s10, $0x1;
	s10 =	sld [smem:$0x3FBA];
	_ =	sdelay $0x3  }
0x34: {  	[smem:$0x3FBA] =	sst s10  }
0x35: {  	s10 =	sld [smem:$0x3FB9];
	_ =	sdelay $0x3  }
0x36: {  	p1 =	seq.s32 s10, $0x1;
	s10 =	sld [smem:$0x3FBA];
	_ =	sdelay $0x3  }
0x37: {  	[smem:$0x3FBA] =	sst s10  }
0x38: {  	s10 =	sld [smem:$0x3FBB]  }
0x39: {  	_ = 	snop;
	(pc) =	sbr.ind lr, $3  }
0x3a: {  	_ = 	snop  }
0x3b: {  	_ = 	snop  }
0x3c: {  	p2 =	seq.s32 s10, $0x1;
	s10 =	sld [smem:$0x3FBA]  }
0x3d: {  	_ =	shalt  }
0x3e: {  	_ =	shalt  }
0x3f: {  	_ =	shalt  }
0x40: {  	_ =	shalt  }
0x41: {  	_ =	shalt  }
0x42: {  	_ =	shalt  }
0x43: {  	_ =	shalt  }
0x44: {  	_ =	shalt  }
0x45: {  	_ =	shalt  }
0x46: {  	_ =	shalt  }
0x47: {  	_ =	shalt  }
0x48: {  	_ =	shalt  }
0x49: {  	_ =	shalt  }
0x4a: {  	_ =	shalt  }
0x4b: {  	_ =	shalt  }
0x4c: {  	_ =	shalt  }
0x4d: {  	_ =	shalt  }
0x4e: {  	_ =	shalt  }
0x4f: {  	_ =	shalt  }
0x50: {  	_ =	shalt  }
0x51: {  	_ =	shalt  }
0x52: {  	_ =	shalt  }
0x53: {  	_ =	shalt  }
0x54: {  	_ =	shalt  }
0x55: {  	_ =	shalt  }
0x56: {  	_ =	shalt  }
0x57: {  	_ =	shalt  }
0x58: {  	_ =	shalt  }
0x59: {  	_ =	shalt  }
0x5a: {  	_ =	shalt  }
0x5b: {  	_ =	shalt  }
0x5c: {  	_ =	shalt  }
0x5d: {  	_ =	shalt  }
0x5e: {  	_ =	shalt  }
0x5f: {  	_ =	shalt  }
0x60: {  	_ =	shalt  }
0x61: {  	_ =	shalt  }
0x62: {  	_ =	shalt  }
0x63: {  	_ =	shalt  }
0x64: {  	_ =	shalt  }
0x65: {  	_ =	shalt  }
0x66: {  	_ =	shalt  }
0x67: {  	_ =	shalt  }
0x68: {  	_ =	shalt  }
0x69: {  	_ =	shalt  }
0x6a: {  	_ =	shalt  }
0x6b: {  	_ =	shalt  }
0x6c: {  	_ =	shalt  }
0x6d: {  	_ =	shalt  }
0x6e: {  	_ =	shalt  }
0x6f: {  	_ =	shalt  }
0x70: {  	_ =	shalt  }
0x71: {  	_ =	shalt  }
0x72: {  	_ =	shalt  }
0x73: {  	_ =	shalt  }
0x74: {  	_ =	shalt  }
0x75: {  	_ =	shalt  }
0x76: {  	_ =	shalt  }
0x77: {  	_ =	shalt  }
0x78: {  	_ =	shalt  }
0x79: {  	_ =	shalt  }
0x7a: {  	_ =	shalt  }
0x7b: {  	_ =	shalt  }
0x7c: {  	_ =	shalt  }
0x7d: {  	_ =	shalt  }
0x7e: {  	_ =	shalt  }
0x7f: {  	_ =	shalt  }
0x80: {  	_ =	shalt  }
0x81: {  	_ =	shalt  }
0x82: {  	_ =	shalt  }
0x83: {  	_ =	shalt  }
0x84: {  	_ =	shalt  }
0x85: {  	_ =	shalt  }
0x86: {  	_ =	shalt  }
0x87: {  	_ =	shalt  }
.Lfunc_end0:
.L_simem_size_0:
called_computation_lowered:
.L_overlay_start_0:
0x88: {  	s2 =	sld [smem:$0x3FD9]  }
0x89: {  	s3 =	sld [smem:$0x3FFE];
	_ =	sdelay $0x1  }
0x8a: {  	s1 =	srdreg.scid  }
0x8b: {  	s0 =	sand.u32 $0x1, s1  }
0x8c: {  	s17 =	sshll.u32 s0, $0xA;
	s2 =	sadd.s32 s3, s2  }
0x8d: {  	s2 =	sadd.s32 s2, s17  }
0x8e: {  	[smem:$0x3FC6] =	sst s2  }
0x8f: {  	_ = 	snop  }
0x90: {  	s2 =	sld [smem:$0x3FC8];
	(tm) =	ssettm $0x1  }
0x91: {  	s18 =	sld [smem:$0x3FFB];
	_ =	sdelay $0x3  }
0x92: {  	_ =	strace s18  }
0x93: {  	s3 =	sld [smem:$0x3FFC];
	_ =	sdelay $0x3  }
0x94: {  	_ =	strace s3  }
0x95: {  	s3 =	sld [smem:$0x3FFD];
	_ =	sdelay $0x3  }
0x96: {  	_ =	strace s3  }
0x97: {  	_ =	strace $0x8FFFFFFF  }
0x98: {  	s19 =	sld [smem:$0x3FDB];
	_ =	sdelay $0x1  }
0x99: {  	s4 =	simm.s32 $_scs_section_size  }
0x9a: {  	s5 =	simm.s32 $_size__tile_overlayer_lowered;
	s6 =	simm.s32 $_tile_overlayer_lowered  }
0x9b: {  	s22 =	simm.s32 $0x1BFF;
	s21 =	sshll.u32 s6, $0x1;
	s3 =	sadd.s32 s4, s19  }
0x9c: {  	s7 =	simm.s32 $0x0;
	s20 =	sshll.u32 s5, $0x1;
	s5 =	sadd.s32 s21, s3  }
0x9d: {  	[timem:s7], [sflag:s22] =	dma.local [hbm:s5], s20  }
0x9e: {  	_ =	swait.ge [sflag:s22], s20  }
0x9f: {  	s4 =	ssub.s32 $0x0, s20;
	[sflag:s22] =	ssyncset.done $0x0  }
0xa0: {  	[sflag:s22] =	ssyncadd.s32 s4;
	_ =	sdelay $0x1  }
0xa1: {  	s23 =	simm.s32 $0x1B8B  }
0xa2: {  	_ =	swait.ge [sflag:s23], $0x1  }
0xa3: {  	[sflag:s23] =	ssyncset.done $0x0  }
0xa4: {  	s25 =	simm.s32 $0x1B8E;
	s24 =	sld [smem:$0x3FFE];
	[sflag:s23] =	ssyncadd.s32 $0xFFFFFFFF  }
0xa5: {  	s26 =	simm.s32 $execute0_lowered;
	[smem:$0x3FD2] =	sst s25  }
0xa6: {  	s5 =	sshll.u32 s26, $0x1;
	_ =	strace $0x80000046;
	[dreg:$0x1] =	wrdreg $0xFFFFFFFF  }
0xa7: {  	s28 =	simm.s32 $_size_execute0_lowered;
	s3 =	sadd.s32 s3, s5;
	[dreg:$0x0] =	wrdreg $0x0  }
0xa8: {  	s5 =	sshll.u32 s28, $0x1;
	[dreg:$0x2] =	wrdreg s3  }
0xa9: {  	[dreg:$0x3] =	wrdreg s5  }
0xaa: {  	[dreg:$0x4] =	wrdreg $0xC0  }
0xab: {  	_ =	task [dreg:s7], $0x5FFFF  }
0xac: {  	[dreg:$0x1] =	wrdreg $0xFFFFFFFF  }
0xad: {  	[dreg:$0x0] =	wrdreg $0x60  }
0xae: {  	[dreg:$0x2] =	wrdreg s2  }
0xaf: {  	[dreg:$0x3] =	wrdreg s24  }
0xb0: {  	[dreg:$0x4] =	wrdreg $0x9  }
0xb1: {  	_ =	task.clear_ibuf [dreg:s7], $0x5FFFF;
	_ =	strace $0x90000046  }
0xb2: {  	s29 =	simm.s32 $0x9;
	_ =	strace $0x80000048  }
0xb3: {  	_ =	swait.ge [sflag:s29], $0x1  }
0xb4: {  	[sflag:s29] =	ssyncadd.s32 $0xFFFFFFFF  }
0xb5: {  	_ =	strace $0x90000048  }
0xb6: {  	_ =	sfence  }
0xb7: {  	s30 =	sld [smem:$0x0];
	_ =	sdelay $0x2  }
0xb8: {  	s31 =	sshll.u32 s1, $0xD;
	s1 =	sshrl.u32 s1, $0x2  }
0xb9: {  	s3 =	sand.u32 $0x4000, s31;
	s1 =	sadd.s32 s1, s30  }
0xba: {  	s0 =	sor.u32 s3, s0;
	s1 =	sshll.u32 s1, $0x11  }
0xbb: {  	s0 =	sor.u32 s1, s0  }
0xbc: {  	s0 =	sadd.s32 $0x8F2B, s0  }
0xbd: {  	[sflag:s0] =	ssyncadd.remote.s32 $0x1  }
0xbe: {  	_ =	sfence.sel $0xFFFF  }
0xbf: {  	[dreg:$0x0] =	wrdreg $0xFFFFFFFF;
	(pc) =	sbr.abs _section_cstart, $3  }
0xc0: {  	[dreg:$0x1] =	wrdreg $0xFFFFFFFF  }
0xc1: {  	_ =	task.clear_ibuf [dreg:s7], $0x2FFFF;
	_ =	strace $0x9FFFFFFF  }
0xc2: {  	(tm) =	ssettm $0x7FFFFFFF  }
0xc3: {  	_ =	shalt  }
tec
execute0_lowered:
.L_overlay_start_1:
0x0: {  	(tag) =	ssettag $0x1  }
0x1: {  	s3 =	rddreg [dreg:$0x0]  }
0x2: {  	s4 =	rddreg [dreg:$0x1]  }
0x3: {  	s0 =	rddreg [dreg:$0x2];
	s2 =	simm.s32 $0x0;
	s5 =	srdreg.scid  }
0x4: {  	s1 =	stileid.u32;
	s9 =	simm.s32 $0x2000;
	s10 =	simm.s32 $0x1  }
0x5: {  	s11 =	simm.s32 $0x2;
	s12 =	simm.s32 $0x4000;
	s13 =	simm.s32 $0x3  }
0x6: {  	[smem:$0x7FF] =	sst s2;
	s5 =	sand.u32 $0x1, s5;
	s6 =	sshll.u32 s1, $0x1  }
0x7: {  	s14 =	simm.s32 $0x0;
	_ =	strace $0x80000047;
	s6 =	sor.u32 s5, s6  }
0x8: {  	s5 =	ssub.s32 $0x2, s5;
	s7 =	sshll.u32 s6, $0x4;
	s6 =	sshll.u32 s6, $0xC  }
0x9: {  	s31 =	sshrl.u32 s5, $0x1;
	s7 =	sadd.s32 s7, s4;
	s3 =	sadd.s32 s3, s6  }
0xa: {  	s8 =	ssub.s32 s5, s31;
	s4 =	sadd.s32 $0x400, s3;
	s5 =	sadd.s32 $0x800, s3  }
0xb: {  	s6 =	sadd.s32 $0xC00, s3;
	s7 =	sadd.s32 $0xA00, s7;
	s8 =	smax.u32 s8, $0x1  }
.LBB2_1:
0xc: {  	[tilespmem:s2], [sflag:$0x1] =	stream.linear.gather [hbm4b:s3+s2], $0x2000, $0x38;
	[tilespmem:$0x4080] =	vst v63  }
0xd: {  	_ = 	snop  }
0xe: {  	[tilespmem:s9], [sflag:$0x2] =	stream.linear.gather [hbm4b:s4+s2], $0x2000, $0x38;
	[tilespmem:$0x4080] =	vst v63  }
0xf: {  	_ =	swait.ge [sflag:s10], $0x2000  }
0x10: {  	[sflag:s10] =	ssyncset.done $0x0  }
0x11: {  	s15 =	simm.s32 $0x0;
	[sflag:s10] =	ssyncadd.s32 $0xFFFFE000  }
0x12: {  	v6 =	vld [tilespmem:s15+$0x40]  }
0x13: {  	v3 =	vld [tilespmem:s15+$0x50]  }
0x14: {  	v2 =	vld [tilespmem:s15+$0x60]  }
0x15: {  	v4 =	vld [tilespmem:s15+$0x0]  }
0x16: {  	v1 =	vimm.s32 $0x0;
	v5 =	vld [tilespmem:s15+$0x10]  }
0x17: {  	s16 =	simm.s32 $0x200;
	v7 =	vimm.s32 $0x0;
	v9 =	vimm.s32 $0x0;
	v11 =	vimm.s32 $0x0;
	v8 =	vld [tilespmem:s15+$0x20]  }
.LBB2_2:
0x18: {  	p0 =	sne.s32 s16, $0x7E00;
	v0 =	vld [tilespmem:s15+$0x30];
	v10 =	vmov v3  }
0x19: {  	v12 =	vld [tilespmem:s15+$0x70];
	s15 =	sshra.s32 s16, $0x2;
	v13 =	vmov v2  }
0x1a: {  	v14 =	vld [tilespmem:s15+$0x40]  }
.Ltmp0:
0x1b: {  	v1 =	vadd.s32 v1, v4;
	v3 =	vld [tilespmem:s15+$0x50];
	(pc) =	sbr.rel @p0 .LBB2_2-.Ltmp0, $4  }
0x1c: {  	v1 =	vadd.s32 v6, v1;
	v2 =	vld [tilespmem:s15+$0x60]  }
0x1d: {  	v15 =	vadd.s32 v7, v5;
	v8 =	vadd.s32 v9, v8;
	v4 =	vld [tilespmem:s15+$0x0];
	v0 =	vadd.s32 v11, v0  }
0x1e: {  	v7 =	vadd.s32 v10, v15;
	v9 =	vadd.s32 v13, v8;
	v5 =	vld [tilespmem:s15+$0x10];
	v11 =	vadd.s32 v12, v0  }
0x1f: {  	s16 =	sadd.s32 $0x200, s16;
	v8 =	vld [tilespmem:s15+$0x20];
	v6 =	vmov v14  }
0x20: {  	v12 =	vld [tilespmem:s15+$0x30];
	s31 =	simm.s32 $0x0  }
0x21: {  	v13 =	vld [tilespmem:s15+$0x70];
	[tilespmem:s31], [sflag:$0x1] =	stream.linear.gather [hbm4b:s5+s31], $0x2000, $0x38  }
0x22: {  	_ =	swait.ge [sflag:s11], $0x2000  }
0x23: {  	[sflag:s11] =	ssyncset.done $0x0  }
0x24: {  	s15 =	simm.s32 $0x0;
	[sflag:s11] =	ssyncadd.s32 $0xFFFFE000  }
0x25: {  	v10 =	vld [tilespmem:s15+$0x2040]  }
0x26: {  	v0 =	vld [tilespmem:s15+$0x2050]  }
0x27: {  	v4 =	vadd.s32 v1, v4;
	v1 =	vld [tilespmem:s15+$0x2060]  }
0x28: {  	v4 =	vadd.s32 v6, v4;
	v6 =	vld [tilespmem:s15+$0x2000]  }
0x29: {  	v7 =	vadd.s32 v7, v5;
	v8 =	vadd.s32 v9, v8;
	v9 =	vadd.s32 v11, v12;
	v5 =	vld [tilespmem:s15+$0x2010]  }
0x2a: {  	s16 =	simm.s32 $0x200;
	v7 =	vadd.s32 v3, v7;
	v8 =	vadd.s32 v2, v8;
	v12 =	vld [tilespmem:s15+$0x2020];
	v9 =	vadd.s32 v13, v9  }
.LBB2_4:
0x2b: {  	p0 =	sne.s32 s16, $0x7E00;
	v2 =	vld [tilespmem:s15+$0x2030];
	v3 =	vmov v0  }
0x2c: {  	v11 =	vld [tilespmem:s15+$0x2070];
	s15 =	sshra.s32 s16, $0x2;
	v13 =	vmov v1  }
0x2d: {  	v14 =	vld [tilespmem:s15+$0x2040]  }
.Ltmp1:
0x2e: {  	v4 =	vadd.s32 v4, v6;
	v0 =	vld [tilespmem:s15+$0x2050];
	(pc) =	sbr.rel @p0 .LBB2_4-.Ltmp1, $4  }
0x2f: {  	v4 =	vadd.s32 v10, v4;
	v1 =	vld [tilespmem:s15+$0x2060]  }
0x30: {  	v7 =	vadd.s32 v7, v5;
	v8 =	vadd.s32 v8, v12;
	v6 =	vld [tilespmem:s15+$0x2000];
	v2 =	vadd.s32 v9, v2  }
0x31: {  	v7 =	vadd.s32 v3, v7;
	v8 =	vadd.s32 v13, v8;
	v5 =	vld [tilespmem:s15+$0x2010];
	v9 =	vadd.s32 v11, v2  }
0x32: {  	s16 =	sadd.s32 $0x200, s16;
	v12 =	vld [tilespmem:s15+$0x2020];
	v10 =	vmov v14  }
0x33: {  	v13 =	vld [tilespmem:s15+$0x2030];
	s31 =	simm.s32 $0x0  }
0x34: {  	v14 =	vld [tilespmem:s15+$0x2070];
	[tilespmem:s9], [sflag:$0x2] =	stream.linear.gather [hbm4b:s6+s31], $0x2000, $0x38  }
0x35: {  	_ =	swait.ge [sflag:s10], $0x2000  }
0x36: {  	[sflag:s10] =	ssyncset.done $0x0  }
0x37: {  	s15 =	simm.s32 $0x0;
	[sflag:s10] =	ssyncadd.s32 $0xFFFFE000  }
0x38: {  	v11 =	vld [tilespmem:s15+$0x40]  }
0x39: {  	v2 =	vld [tilespmem:s15+$0x50]  }
0x3a: {  	v4 =	vadd.s32 v4, v6;
	v3 =	vld [tilespmem:s15+$0x60]  }
0x3b: {  	v4 =	vadd.s32 v10, v4;
	v6 =	vld [tilespmem:s15+$0x0]  }
0x3c: {  	v7 =	vadd.s32 v7, v5;
	v8 =	vadd.s32 v8, v12;
	v9 =	vadd.s32 v9, v13;
	v5 =	vld [tilespmem:s15+$0x10]  }
0x3d: {  	s16 =	simm.s32 $0x200;
	v7 =	vadd.s32 v0, v7;
	v1 =	vadd.s32 v1, v8;
	v10 =	vld [tilespmem:s15+$0x20];
	v8 =	vadd.s32 v14, v9  }
.LBB2_6:
0x3e: {  	p0 =	sne.s32 s16, $0x7E00;
	v0 =	vld [tilespmem:s15+$0x30];
	v9 =	vmov v2  }
0x3f: {  	v12 =	vld [tilespmem:s15+$0x70];
	s15 =	sshra.s32 s16, $0x2;
	v13 =	vmov v3  }
0x40: {  	v14 =	vld [tilespmem:s15+$0x40]  }
.Ltmp2:
0x41: {  	v4 =	vadd.s32 v4, v6;
	v2 =	vld [tilespmem:s15+$0x50];
	(pc) =	sbr.rel @p0 .LBB2_6-.Ltmp2, $4  }
0x42: {  	v4 =	vadd.s32 v11, v4;
	v3 =	vld [tilespmem:s15+$0x60]  }
0x43: {  	v7 =	vadd.s32 v7, v5;
	v1 =	vadd.s32 v1, v10;
	v6 =	vld [tilespmem:s15+$0x0];
	v0 =	vadd.s32 v8, v0  }
0x44: {  	v7 =	vadd.s32 v9, v7;
	v1 =	vadd.s32 v13, v1;
	v5 =	vld [tilespmem:s15+$0x10];
	v8 =	vadd.s32 v12, v0  }
0x45: {  	s16 =	sadd.s32 $0x200, s16;
	v10 =	vld [tilespmem:s15+$0x20];
	v11 =	vmov v14  }
0x46: {  	v13 =	vld [tilespmem:s15+$0x30]  }
0x47: {  	v14 =	vld [tilespmem:s15+$0x70];
	_ =	swait.ge [sflag:s11], $0x2000  }
0x48: {  	[sflag:s11] =	ssyncset.done $0x0  }
0x49: {  	s15 =	simm.s32 $0x0;
	[sflag:s11] =	ssyncadd.s32 $0xFFFFE000  }
0x4a: {  	v12 =	vld [tilespmem:s15+$0x2040]  }
0x4b: {  	v9 =	vld [tilespmem:s15+$0x2050]  }
0x4c: {  	v4 =	vadd.s32 v4, v6;
	v0 =	vld [tilespmem:s15+$0x2060]  }
0x4d: {  	v4 =	vadd.s32 v11, v4;
	v6 =	vld [tilespmem:s15+$0x2000]  }
0x4e: {  	v5 =	vadd.s32 v7, v5;
	v7 =	vadd.s32 v1, v10;
	v1 =	vld [tilespmem:s15+$0x2010];
	v8 =	vadd.s32 v8, v13  }
0x4f: {  	s16 =	simm.s32 $0x200;
	v5 =	vadd.s32 v2, v5;
	v3 =	vadd.s32 v3, v7;
	v7 =	vld [tilespmem:s15+$0x2020];
	v2 =	vadd.s32 v14, v8  }
.LBB2_8:
0x50: {  	p0 =	sne.s32 s16, $0x7E00;
	v8 =	vld [tilespmem:s15+$0x2030];
	v10 =	vmov v9  }
0x51: {  	v11 =	vld [tilespmem:s15+$0x2070];
	s15 =	sshra.s32 s16, $0x2;
	v13 =	vmov v0  }
0x52: {  	v14 =	vld [tilespmem:s15+$0x2040]  }
.Ltmp3:
0x53: {  	v4 =	vadd.s32 v4, v6;
	v9 =	vld [tilespmem:s15+$0x2050];
	(pc) =	sbr.rel @p0 .LBB2_8-.Ltmp3, $4  }
0x54: {  	v4 =	vadd.s32 v12, v4;
	v0 =	vld [tilespmem:s15+$0x2060]  }
0x55: {  	v5 =	vadd.s32 v5, v1;
	v3 =	vadd.s32 v3, v7;
	v6 =	vld [tilespmem:s15+$0x2000];
	v2 =	vadd.s32 v2, v8  }
0x56: {  	v5 =	vadd.s32 v10, v5;
	v3 =	vadd.s32 v13, v3;
	v1 =	vld [tilespmem:s15+$0x2010];
	v2 =	vadd.s32 v11, v2  }
0x57: {  	s16 =	sadd.s32 $0x200, s16;
	v7 =	vld [tilespmem:s15+$0x2020];
	v12 =	vmov v14  }
0x58: {  	v8 =	vld [tilespmem:s15+$0x2030]  }
0x59: {  	v10 =	vld [tilespmem:s15+$0x2070];
	_ =	sdelay $0x1  }
0x5a: {  	v4 =	vadd.s32 v4, v6;
	v1 =	vadd.s32 v5, v1  }
0x5b: {  	v4 =	vadd.s32 v12, v4;
	v3 =	vadd.s32 v3, v7;
	v1 =	vadd.s32 v9, v1  }
0x5c: {  	v2 =	vadd.s32 v2, v8;
	v0 =	vadd.s32 v0, v3;
	v1 =	vadd.s32 v4, v1  }
0x5d: {  	s14 =	sadd.s32 $0x1, s14;
	v2 =	vadd.s32 v10, v2;
	v0 =	vadd.s32 v0, v1  }
0x5e: {  	p0 =	sne.s32 s14, s8;
	v0 =	vadd.s32 v2, v0  }
.Ltmp4:
0x5f: {  	[tilespmem:$0x4000] =	vst v0;
	(pc) =	sbr.rel @p0 .LBB2_1-.Ltmp4, $4  }
0x60: {  	[hbm4b:s7+s2] =	stream.linear.scatter [tilespmem:s12], [sflag:$0x3], $0x80, $0x38;
	[tilespmem:$0x4080] =	vst v63  }
0x61: {  	_ =	swait.ge [sflag:s13], $0x80  }
0x62: {  	[sflag:s13] =	ssyncset.done $0x0  }
0x63: {  	[sflag:s13] =	ssyncadd.s32 $0xFFFFFF80  }
0x64: {  	_ =	sfence.sel $0x180000  }
0x65: {  	[bflag:$0x0] =	sbarrier.arrive $0xFFFF  }
0x66: {  	p0 =	sne.s32 s1, $0x0;
	_ =	strace $0x90000047  }
0x67: {  	s0 =	sadd.s32 @!p0 $0x100000, s0;
	[bflag:$0x2] =	sbarrier.arrive $0xFFFF  }
0x68: {  	[sflag:s0] =	ssyncadd.tile.s32 @!p0 $0x1;
	_ =	shalt  }
.Lfunc_end2:
_tile_overlayer_lowered:
.L_overlay_start_2:
0x69: {  	(tag) =	ssettag $0x2  }
0x6a: {  	s0 =	rddreg [dreg:$0x0];
	s2 =	stileid.u32  }
0x6b: {  	s1 =	rddreg [dreg:$0x1];
	p0 =	sne.s32 s2, $0x0  }
0x6c: {  	s3 =	rddreg [dreg:$0x2];
	[bflag:$0x3] =	sbarrier.arrive $0xFFFF;
	s2 =	simm.s32 @!p0 $0x1C03  }
0x6d: {  	[timem:s3], [sflag:s2] =	dma.local @!p0 [hbm:s0], s1  }
0x6e: {  	s0 =	simm.s32 @!p0 $0x3  }
0x6f: {  	_ =	swait.ge @!p0 [sflag:s0], s1  }
0x70: {  	s1 =	ssub.s32 @!p0 $0x0, s1;
	[sflag:s0] =	ssyncset.done @!p0 $0x0  }
0x71: {  	[sflag:s0] =	ssyncadd.s32 @!p0 s1  }
0x72: {  	[bflag:$0x3] =	sbarrier.arrive $0xFFFF  }
0x73: {  	_ =	shalt  }

</sc_bundles>
